<compile_context>
chip_gen: v7x
topology: tpu7x:2x2x1
jax: 0.10.2.dev20260603
libtpu: 0.0.44.dev20260713+nightly
codegen_flags: <defaults>
</compile_context>

<pallas_src>
import functools

import jax
import jax.numpy as jnp
from jax import lax
from jax.experimental import pallas as pl
from jax.experimental.pallas import tpu as pltpu
from jax.experimental.pallas import tpu_sc as plsc

B, N, C = 16, 100000, 3
NPOINT = 4096

NUM_CORES = 2
NUM_SUBCORES = 16
NW = NUM_CORES * NUM_SUBCORES
NTASK = C * B
LANES = 16

@functools.cache
def _build_gather_sc():
    mesh = plsc.VectorSubcoreMesh(core_axis_name="c", subcore_axis_name="s")

    @functools.partial(
        pl.kernel,
        mesh=mesh,
        out_type=jax.ShapeDtypeStruct((C, B, NPOINT), jnp.float32),
        scratch_types=[
            pltpu.VMEM((N,), jnp.float32),
            pltpu.VMEM((NPOINT,), jnp.int32),
            pltpu.VMEM((NPOINT,), jnp.float32),
            pltpu.SemaphoreType.DMA,
        ],
        compiler_params=pltpu.CompilerParams(
            use_tc_tiling_on_sc=True, needs_layout_passes=False
        ),
    )
    def _gather_sc(xyz_t, idx_hbm, out_hbm, plane_v, idx_v, outp_v, sem0):
        wid = lax.axis_index("s") * NUM_CORES + lax.axis_index("c")

        def do_task(t, carry):
            c = t // B
            b = t - c * B
            cp = pltpu.async_copy(xyz_t.at[c, b], plane_v, sem0)
            pltpu.sync_copy(idx_hbm.at[b], idx_v)
            cp.wait()

            def body(j, carry2):
                for u in range(4):
                    col = j * (4 * LANES) + u * LANES
                    iv = idx_v[pl.ds(col, LANES)]
                    outp_v[pl.ds(col, LANES)] = plsc.load_gather(plane_v, [iv])
                return carry2

            lax.fori_loop(0, NPOINT // (4 * LANES), body, 0)
            pltpu.sync_copy(outp_v, out_hbm.at[c, b])
            return carry

        ntasks = jnp.where(wid < NTASK - NW, 2, 1)
        lax.fori_loop(0, ntasks, lambda i, cr: do_task(wid + i * NW, cr), 0)

    return _gather_sc


def kernel(xyz, point_indices):
    xyz_t = jnp.transpose(xyz, (2, 0, 1))
    idx = point_indices.astype(jnp.int32)
    out = _build_gather_sc()(xyz_t, idx)
    return jnp.transpose(out, (1, 2, 0))

# --- scband reference (transcript-rebuilt; emitter-appended) ---
"""Pipeline reference for scband-gather-points-25993142075415 (READ-ONLY COPY).

The authoritative reference and input builder live on the scoring server;
editing this copy changes nothing except your own understanding.
"""

import jax, jax.numpy as jnp
import numpy as np

B, N, C = 16, 100000, 3
NPOINT = 4096

def setup_inputs(seed: int = 0) -> dict:
    key = jax.random.key(seed)
    k1, k2 = jax.random.split(key)
    xyz = jax.random.normal(k1, (B, N, C), dtype=jnp.float32)
    point_indices = jax.random.randint(k2, (B, NPOINT), 0, N, dtype=jnp.int64)
    return {"xyz": xyz, "point_indices": point_indices}

def reference(xyz, point_indices):
    # Original: xyz_flipped = xyz.transpose(1,2)  -> [B, C, N]
    #           gather_operation(xyz_flipped, idx) -> [B, C, npoint]
    #           .transpose(1,2) -> [B, npoint, C]
    xyz_flipped = jnp.transpose(xyz, (0, 2, 1))  # [B, C, N]
    # gather_operation: out[b, c, j] = xyz_flipped[b, c, idx[b, j]]
    gathered = jnp.take_along_axis(
        xyz_flipped,
        point_indices[:, None, :].astype(jnp.int32).astype(jnp.int64),
        axis=2,
    )  # [B, C, npoint]
    out = jnp.transpose(gathered, (0, 2, 1))  # [B, npoint, C]
    return out

if __name__ == "__main__":
    import jax
    _d = setup_inputs()
    print(jax.jit(kernel)(*tuple(_d.values())))

</pallas_src>

<mosaic_0001>
#map = affine_map<(d0, d1) -> (0, 0, 0)>
#map1 = affine_map<(d0, d1) -> (0, 0)>
module attributes {stable_mosaic.version = 14 : i64} {
  func.func @_gather_sc(%arg0: i32, %arg1: i32, %arg2: memref<3x16x100000xf32, #tpu.memory_space<hbm>>, %arg3: memref<16x4096xi32, #tpu.memory_space<hbm>>, %arg4: memref<3x16x4096xf32, #tpu.memory_space<hbm>>, %arg5: memref<100000xf32, #tpu.memory_space<vmem>>, %arg6: memref<4096xi32, #tpu.memory_space<vmem>>, %arg7: memref<4096xf32, #tpu.memory_space<vmem>>, %arg8: memref<!tpu.dma_semaphore, #tpu.memory_space<semaphore_mem>>) attributes {dimension_semantics = [#tpu.dimension_semantics<core_parallel>, #tpu.dimension_semantics<subcore_parallel>], iteration_bounds = array<i64: 2, 16>, scalar_prefetch = 0 : i64, scratch_operands = 4 : i64, tpu.core_type = #tpu.core_type<sc_vector_subcore>, window_params = [{transform_indices = #map}, {transform_indices = #map1}, {transform_indices = #map}]} {
    %mul3A = arith.constant 2 : i32
    %mul3A_0 = arith.muli %arg1, %mul3A : i32
    %add3A = arith.addi %mul3A_0, %arg0 : i32
    %lt3A = arith.constant 16 : i32
    %lt3A_1 = arith.cmpi slt, %add3A, %lt3A : i32
    %jit3A = arith.constant 2 : i32
    %jit3A_2 = arith.constant 1 : i32
    %select_n3A = arith.select %lt3A_1, %jit3A, %jit3A_2 : i32
    %while3A = arith.constant 0 : i32
    %while3A_3 = arith.constant 0 : i32
    %while3A_4 = arith.subi %select_n3A, %while3A_3 : i32
    %while3A_5 = arith.addi %while3A_3, %while3A_4 : i32
    %while3A_6 = arith.constant 1 : i32
    %while3A_7 = arith.divsi %while3A_4, %while3A_6 : i32
    %while3A_8 = arith.muli %while3A_7, %while3A_6 : i32
    %while3A_9 = arith.addi %while3A_3, %while3A_8 : i32
    %while3A_10 = arith.constant 1 : i32
    scf.for %while3A_12 = %while3A_3 to %while3A_9 step %while3A_10  : i32 {
      %mul3A_13 = arith.constant 32 : i32
      %mul3A_14 = arith.muli %while3A_12, %mul3A_13 : i32
      %add3A_15 = arith.addi %add3A, %mul3A_14 : i32
      %jit3A_16 = arith.constant 16 : i32
      %div3A = arith.divsi %add3A_15, %jit3A_16 : i32
      %sign3A = arith.constant 0 : i32
      %sign3A_17 = arith.cmpi sgt, %add3A_15, %sign3A : i32
      %sign3A_18 = arith.extui %sign3A_17 : i1 to i32
      %sign3A_19 = arith.constant 0 : i32
      %sign3A_20 = arith.cmpi slt, %add3A_15, %sign3A_19 : i32
      %sign3A_21 = arith.extui %sign3A_20 : i1 to i32
      %sign3A_22 = arith.subi %sign3A_18, %sign3A_21 : i32
      %sign3A_23 = arith.constant 0 : i32
      %sign3A_24 = arith.cmpi sgt, %jit3A_16, %sign3A_23 : i32
      %sign3A_25 = arith.extui %sign3A_24 : i1 to i32
      %sign3A_26 = arith.constant 0 : i32
      %sign3A_27 = arith.cmpi slt, %jit3A_16, %sign3A_26 : i32
      %sign3A_28 = arith.extui %sign3A_27 : i1 to i32
      %sign3A_29 = arith.subi %sign3A_25, %sign3A_28 : i32
      %ne3A = arith.cmpi ne, %sign3A_22, %sign3A_29 : i32
      %rem3A = arith.remsi %add3A_15, %jit3A_16 : i32
      %ne3A_30 = arith.constant 0 : i32
      %ne3A_31 = arith.cmpi ne, %rem3A, %ne3A_30 : i32
      %and3A = arith.andi %ne3A, %ne3A_31 : i1
      %sub3A = arith.constant 1 : i32
      %sub3A_32 = arith.subi %div3A, %sub3A : i32
      %select_n3A_33 = arith.select %and3A, %sub3A_32, %div3A : i32
      %mul3A_34 = arith.constant 16 : i32
      %mul3A_35 = arith.muli %select_n3A_33, %mul3A_34 : i32
      %sub3A_36 = arith.subi %add3A_15, %mul3A_35 : i32
      %dma_start3A = arith.constant 0 : i32
      %dma_start3A_37 = tpu.memref_slice %arg2[%select_n3A_33, %sub3A_36, %dma_start3A] : memref<3x16x100000xf32, #tpu.memory_space<hbm>> -> memref<1x1x100000xf32, #tpu.memory_space<hbm>>
      %dma_start3A_38 = tpu.memref_squeeze %dma_start3A_37 : memref<1x1x100000xf32, #tpu.memory_space<hbm>> -> memref<100000xf32, #tpu.memory_space<hbm>>
      %dma_start3A_39 = arith.constant 0 : i32
      %dma_start3A_40 = tpu.memref_slice %arg2[%select_n3A_33, %sub3A_36, %dma_start3A_39] : memref<3x16x100000xf32, #tpu.memory_space<hbm>> -> memref<1x1x100000xf32, #tpu.memory_space<hbm>>
      %dma_start3A_41 = tpu.memref_squeeze %dma_start3A_40 : memref<1x1x100000xf32, #tpu.memory_space<hbm>> -> memref<100000xf32, #tpu.memory_space<hbm>>
      tpu.enqueue_dma source(%dma_start3A_41 : memref<100000xf32, #tpu.memory_space<hbm>>) target(%arg5 : memref<100000xf32, #tpu.memory_space<vmem>>) target_semaphore(%arg8 : memref<!tpu.dma_semaphore, #tpu.memory_space<semaphore_mem>>)
      "tpu.region"() ({
        %run_scoped3A = tpu.sem_alloc : memref<!tpu.dma_semaphore, #tpu.memory_space<semaphore_mem>>
        %dma_start3A_52 = arith.constant 0 : i32
        %dma_start3A_53 = tpu.memref_slice %arg3[%sub3A_36, %dma_start3A_52] : memref<16x4096xi32, #tpu.memory_space<hbm>> -> memref<1x4096xi32, #tpu.memory_space<hbm>>
        %dma_start3A_54 = tpu.memref_squeeze %dma_start3A_53 : memref<1x4096xi32, #tpu.memory_space<hbm>> -> memref<4096xi32, #tpu.memory_space<hbm>>
        %dma_start3A_55 = arith.constant 0 : i32
        %dma_start3A_56 = tpu.memref_slice %arg3[%sub3A_36, %dma_start3A_55] : memref<16x4096xi32, #tpu.memory_space<hbm>> -> memref<1x4096xi32, #tpu.memory_space<hbm>>
        %dma_start3A_57 = tpu.memref_squeeze %dma_start3A_56 : memref<1x4096xi32, #tpu.memory_space<hbm>> -> memref<4096xi32, #tpu.memory_space<hbm>>
        tpu.enqueue_dma source(%dma_start3A_57 : memref<4096xi32, #tpu.memory_space<hbm>>) target(%arg6 : memref<4096xi32, #tpu.memory_space<vmem>>) target_semaphore(%run_scoped3A : memref<!tpu.dma_semaphore, #tpu.memory_space<semaphore_mem>>)
        %dma_wait3A_58 = arith.constant 0 : i32
        %dma_wait3A_59 = tpu.memref_slice %arg3[%sub3A_36, %dma_wait3A_58] : memref<16x4096xi32, #tpu.memory_space<hbm>> -> memref<1x4096xi32, #tpu.memory_space<hbm>>
        %dma_wait3A_60 = tpu.memref_squeeze %dma_wait3A_59 : memref<1x4096xi32, #tpu.memory_space<hbm>> -> memref<4096xi32, #tpu.memory_space<hbm>>
        %dma_wait3A_61 = arith.constant 0 : i32
        %dma_wait3A_62 = tpu.memref_slice %arg3[%sub3A_36, %dma_wait3A_61] : memref<16x4096xi32, #tpu.memory_space<hbm>> -> memref<1x4096xi32, #tpu.memory_space<hbm>>
        %dma_wait3A_63 = tpu.memref_squeeze %dma_wait3A_62 : memref<1x4096xi32, #tpu.memory_space<hbm>> -> memref<4096xi32, #tpu.memory_space<hbm>>
        tpu.wait_dma2 semaphore(%run_scoped3A : memref<!tpu.dma_semaphore, #tpu.memory_space<semaphore_mem>>) src(%dma_wait3A_63 : memref<4096xi32, #tpu.memory_space<hbm>>) dst(%arg6 : memref<4096xi32, #tpu.memory_space<vmem>>)
        tpu.yield
      }) : () -> ()
      %dma_wait3A = arith.constant 0 : i32
      %dma_wait3A_42 = tpu.memref_slice %arg2[%select_n3A_33, %sub3A_36, %dma_wait3A] : memref<3x16x100000xf32, #tpu.memory_space<hbm>> -> memref<1x1x100000xf32, #tpu.memory_space<hbm>>
      %dma_wait3A_43 = tpu.memref_squeeze %dma_wait3A_42 : memref<1x1x100000xf32, #tpu.memory_space<hbm>> -> memref<100000xf32, #tpu.memory_space<hbm>>
      %dma_wait3A_44 = arith.constant 0 : i32
      %dma_wait3A_45 = tpu.memref_slice %arg2[%select_n3A_33, %sub3A_36, %dma_wait3A_44] : memref<3x16x100000xf32, #tpu.memory_space<hbm>> -> memref<1x1x100000xf32, #tpu.memory_space<hbm>>
      %dma_wait3A_46 = tpu.memref_squeeze %dma_wait3A_45 : memref<1x1x100000xf32, #tpu.memory_space<hbm>> -> memref<100000xf32, #tpu.memory_space<hbm>>
      tpu.wait_dma2 semaphore(%arg8 : memref<!tpu.dma_semaphore, #tpu.memory_space<semaphore_mem>>) src(%dma_wait3A_46 : memref<100000xf32, #tpu.memory_space<hbm>>) dst(%arg5 : memref<100000xf32, #tpu.memory_space<vmem>>)
      %scan3A = arith.constant 0 : i32
      %scan3A_47 = arith.constant 0 : i32
      %scan3A_48 = arith.constant 64 : i32
      %scan3A_49 = arith.addi %scan3A_47, %scan3A_48 : i32
      %scan3A_50 = arith.constant 1 : i32
      scf.for %scan3A_52 = %scan3A_47 to %scan3A_49 step %scan3A_50  : i32 {
        %mul3A_53 = arith.constant 64 : i32
        %mul3A_54 = arith.muli %scan3A_52, %mul3A_53 : i32
        %add3A_55 = arith.constant 0 : i32
        %add3A_56 = arith.addi %mul3A_54, %add3A_55 : i32
        %get3A = arith.index_cast %add3A_56 : i32 to index
        %get3A_57 = tpu.vector_load %arg6[%get3A] {strides = array<i32>} : memref<4096xi32, #tpu.memory_space<vmem>>, vector<16xi32>,
        %gather3A = tpu.vector_load_idx %arg5[%get3A_57] : memref<100000xf32, #tpu.memory_space<vmem>>[vector<16xi32>], vector<16xf32>,
        %swap3A = arith.index_cast %add3A_56 : i32 to index
        %swap3A_58 = tpu.vector_load %arg7[%swap3A] {strides = array<i32>} : memref<4096xf32, #tpu.memory_space<vmem>>, vector<16xf32>,
        tpu.vector_store %arg7[%swap3A], %gather3A {strides = array<i32>} : memref<4096xf32, #tpu.memory_space<vmem>>, vector<16xf32>,
        %mul3A_59 = arith.constant 64 : i32
        %mul3A_60 = arith.muli %scan3A_52, %mul3A_59 : i32
        %add3A_61 = arith.constant 16 : i32
        %add3A_62 = arith.addi %mul3A_60, %add3A_61 : i32
        %get3A_63 = arith.index_cast %add3A_62 : i32 to index
        %get3A_64 = tpu.vector_load %arg6[%get3A_63] {strides = array<i32>} : memref<4096xi32, #tpu.memory_space<vmem>>, vector<16xi32>,
        %gather3A_65 = tpu.vector_load_idx %arg5[%get3A_64] : memref<100000xf32, #tpu.memory_space<vmem>>[vector<16xi32>], vector<16xf32>,
        %swap3A_66 = arith.index_cast %add3A_62 : i32 to index
        %swap3A_67 = tpu.vector_load %arg7[%swap3A_66] {strides = array<i32>} : memref<4096xf32, #tpu.memory_space<vmem>>, vector<16xf32>,
        tpu.vector_store %arg7[%swap3A_66], %gather3A_65 {strides = array<i32>} : memref<4096xf32, #tpu.memory_space<vmem>>, vector<16xf32>,
        %mul3A_68 = arith.constant 64 : i32
        %mul3A_69 = arith.muli %scan3A_52, %mul3A_68 : i32
        %add3A_70 = arith.constant 32 : i32
        %add3A_71 = arith.addi %mul3A_69, %add3A_70 : i32
        %get3A_72 = arith.index_cast %add3A_71 : i32 to index
        %get3A_73 = tpu.vector_load %arg6[%get3A_72] {strides = array<i32>} : memref<4096xi32, #tpu.memory_space<vmem>>, vector<16xi32>,
        %gather3A_74 = tpu.vector_load_idx %arg5[%get3A_73] : memref<100000xf32, #tpu.memory_space<vmem>>[vector<16xi32>], vector<16xf32>,
        %swap3A_75 = arith.index_cast %add3A_71 : i32 to index
        %swap3A_76 = tpu.vector_load %arg7[%swap3A_75] {strides = array<i32>} : memref<4096xf32, #tpu.memory_space<vmem>>, vector<16xf32>,
        tpu.vector_store %arg7[%swap3A_75], %gather3A_74 {strides = array<i32>} : memref<4096xf32, #tpu.memory_space<vmem>>, vector<16xf32>,
        %mul3A_77 = arith.constant 64 : i32
        %mul3A_78 = arith.muli %scan3A_52, %mul3A_77 : i32
        %add3A_79 = arith.constant 48 : i32
        %add3A_80 = arith.addi %mul3A_78, %add3A_79 : i32
        %get3A_81 = arith.index_cast %add3A_80 : i32 to index
        %get3A_82 = tpu.vector_load %arg6[%get3A_81] {strides = array<i32>} : memref<4096xi32, #tpu.memory_space<vmem>>, vector<16xi32>,
        %gather3A_83 = tpu.vector_load_idx %arg5[%get3A_82] : memref<100000xf32, #tpu.memory_space<vmem>>[vector<16xi32>], vector<16xf32>,
        %swap3A_84 = arith.index_cast %add3A_80 : i32 to index
        %swap3A_85 = tpu.vector_load %arg7[%swap3A_84] {strides = array<i32>} : memref<4096xf32, #tpu.memory_space<vmem>>, vector<16xf32>,
        tpu.vector_store %arg7[%swap3A_84], %gather3A_83 {strides = array<i32>} : memref<4096xf32, #tpu.memory_space<vmem>>, vector<16xf32>,
      }
      %scan3A_51 = arith.constant 64 : i32
      "tpu.region"() ({
        %run_scoped3A = tpu.sem_alloc : memref<!tpu.dma_semaphore, #tpu.memory_space<semaphore_mem>>
        %dma_start3A_52 = arith.constant 0 : i32
        %dma_start3A_53 = tpu.memref_slice %arg4[%select_n3A_33, %sub3A_36, %dma_start3A_52] : memref<3x16x4096xf32, #tpu.memory_space<hbm>> -> memref<1x1x4096xf32, #tpu.memory_space<hbm>>
        %dma_start3A_54 = tpu.memref_squeeze %dma_start3A_53 : memref<1x1x4096xf32, #tpu.memory_space<hbm>> -> memref<4096xf32, #tpu.memory_space<hbm>>
        %dma_start3A_55 = arith.constant 0 : i32
        %dma_start3A_56 = tpu.memref_slice %arg4[%select_n3A_33, %sub3A_36, %dma_start3A_55] : memref<3x16x4096xf32, #tpu.memory_space<hbm>> -> memref<1x1x4096xf32, #tpu.memory_space<hbm>>
        %dma_start3A_57 = tpu.memref_squeeze %dma_start3A_56 : memref<1x1x4096xf32, #tpu.memory_space<hbm>> -> memref<4096xf32, #tpu.memory_space<hbm>>
        tpu.enqueue_dma source(%arg7 : memref<4096xf32, #tpu.memory_space<vmem>>) target(%dma_start3A_57 : memref<4096xf32, #tpu.memory_space<hbm>>) target_semaphore(%run_scoped3A : memref<!tpu.dma_semaphore, #tpu.memory_space<semaphore_mem>>)
        %dma_wait3A_58 = arith.constant 0 : i32
        %dma_wait3A_59 = tpu.memref_slice %arg4[%select_n3A_33, %sub3A_36, %dma_wait3A_58] : memref<3x16x4096xf32, #tpu.memory_space<hbm>> -> memref<1x1x4096xf32, #tpu.memory_space<hbm>>
        %dma_wait3A_60 = tpu.memref_squeeze %dma_wait3A_59 : memref<1x1x4096xf32, #tpu.memory_space<hbm>> -> memref<4096xf32, #tpu.memory_space<hbm>>
        %dma_wait3A_61 = arith.constant 0 : i32
        %dma_wait3A_62 = tpu.memref_slice %arg4[%select_n3A_33, %sub3A_36, %dma_wait3A_61] : memref<3x16x4096xf32, #tpu.memory_space<hbm>> -> memref<1x1x4096xf32, #tpu.memory_space<hbm>>
        %dma_wait3A_63 = tpu.memref_squeeze %dma_wait3A_62 : memref<1x1x4096xf32, #tpu.memory_space<hbm>> -> memref<4096xf32, #tpu.memory_space<hbm>>
        tpu.wait_dma2 semaphore(%run_scoped3A : memref<!tpu.dma_semaphore, #tpu.memory_space<semaphore_mem>>) src(%arg7 : memref<4096xf32, #tpu.memory_space<vmem>>) dst(%dma_wait3A_63 : memref<4096xf32, #tpu.memory_space<hbm>>)
        tpu.yield
      }) : () -> ()
    }
    %while3A_11 = arith.constant 1 : i32
    scf.for %while3A_12 = %while3A_9 to %while3A_5 step %while3A_11  : i32 {
      %mul3A_13 = arith.constant 32 : i32
      %mul3A_14 = arith.muli %while3A_12, %mul3A_13 : i32
      %add3A_15 = arith.addi %add3A, %mul3A_14 : i32
      %jit3A_16 = arith.constant 16 : i32
      %div3A = arith.divsi %add3A_15, %jit3A_16 : i32
      %sign3A = arith.constant 0 : i32
      %sign3A_17 = arith.cmpi sgt, %add3A_15, %sign3A : i32
      %sign3A_18 = arith.extui %sign3A_17 : i1 to i32
      %sign3A_19 = arith.constant 0 : i32
      %sign3A_20 = arith.cmpi slt, %add3A_15, %sign3A_19 : i32
      %sign3A_21 = arith.extui %sign3A_20 : i1 to i32
      %sign3A_22 = arith.subi %sign3A_18, %sign3A_21 : i32
      %sign3A_23 = arith.constant 0 : i32
      %sign3A_24 = arith.cmpi sgt, %jit3A_16, %sign3A_23 : i32
      %sign3A_25 = arith.extui %sign3A_24 : i1 to i32
      %sign3A_26 = arith.constant 0 : i32
      %sign3A_27 = arith.cmpi slt, %jit3A_16, %sign3A_26 : i32
      %sign3A_28 = arith.extui %sign3A_27 : i1 to i32
      %sign3A_29 = arith.subi %sign3A_25, %sign3A_28 : i32
      %ne3A = arith.cmpi ne, %sign3A_22, %sign3A_29 : i32
      %rem3A = arith.remsi %add3A_15, %jit3A_16 : i32
      %ne3A_30 = arith.constant 0 : i32
      %ne3A_31 = arith.cmpi ne, %rem3A, %ne3A_30 : i32
      %and3A = arith.andi %ne3A, %ne3A_31 : i1
      %sub3A = arith.constant 1 : i32
      %sub3A_32 = arith.subi %div3A, %sub3A : i32
      %select_n3A_33 = arith.select %and3A, %sub3A_32, %div3A : i32
      %mul3A_34 = arith.constant 16 : i32
      %mul3A_35 = arith.muli %select_n3A_33, %mul3A_34 : i32
      %sub3A_36 = arith.subi %add3A_15, %mul3A_35 : i32
      %dma_start3A = arith.constant 0 : i32
      %dma_start3A_37 = tpu.memref_slice %arg2[%select_n3A_33, %sub3A_36, %dma_start3A] : memref<3x16x100000xf32, #tpu.memory_space<hbm>> -> memref<1x1x100000xf32, #tpu.memory_space<hbm>>
      %dma_start3A_38 = tpu.memref_squeeze %dma_start3A_37 : memref<1x1x100000xf32, #tpu.memory_space<hbm>> -> memref<100000xf32, #tpu.memory_space<hbm>>
      %dma_start3A_39 = arith.constant 0 : i32
      %dma_start3A_40 = tpu.memref_slice %arg2[%select_n3A_33, %sub3A_36, %dma_start3A_39] : memref<3x16x100000xf32, #tpu.memory_space<hbm>> -> memref<1x1x100000xf32, #tpu.memory_space<hbm>>
      %dma_start3A_41 = tpu.memref_squeeze %dma_start3A_40 : memref<1x1x100000xf32, #tpu.memory_space<hbm>> -> memref<100000xf32, #tpu.memory_space<hbm>>
      tpu.enqueue_dma source(%dma_start3A_41 : memref<100000xf32, #tpu.memory_space<hbm>>) target(%arg5 : memref<100000xf32, #tpu.memory_space<vmem>>) target_semaphore(%arg8 : memref<!tpu.dma_semaphore, #tpu.memory_space<semaphore_mem>>)
      "tpu.region"() ({
        %run_scoped3A = tpu.sem_alloc : memref<!tpu.dma_semaphore, #tpu.memory_space<semaphore_mem>>
        %dma_start3A_52 = arith.constant 0 : i32
        %dma_start3A_53 = tpu.memref_slice %arg3[%sub3A_36, %dma_start3A_52] : memref<16x4096xi32, #tpu.memory_space<hbm>> -> memref<1x4096xi32, #tpu.memory_space<hbm>>
        %dma_start3A_54 = tpu.memref_squeeze %dma_start3A_53 : memref<1x4096xi32, #tpu.memory_space<hbm>> -> memref<4096xi32, #tpu.memory_space<hbm>>
        %dma_start3A_55 = arith.constant 0 : i32
        %dma_start3A_56 = tpu.memref_slice %arg3[%sub3A_36, %dma_start3A_55] : memref<16x4096xi32, #tpu.memory_space<hbm>> -> memref<1x4096xi32, #tpu.memory_space<hbm>>
        %dma_start3A_57 = tpu.memref_squeeze %dma_start3A_56 : memref<1x4096xi32, #tpu.memory_space<hbm>> -> memref<4096xi32, #tpu.memory_space<hbm>>
        tpu.enqueue_dma source(%dma_start3A_57 : memref<4096xi32, #tpu.memory_space<hbm>>) target(%arg6 : memref<4096xi32, #tpu.memory_space<vmem>>) target_semaphore(%run_scoped3A : memref<!tpu.dma_semaphore, #tpu.memory_space<semaphore_mem>>)
        %dma_wait3A_58 = arith.constant 0 : i32
        %dma_wait3A_59 = tpu.memref_slice %arg3[%sub3A_36, %dma_wait3A_58] : memref<16x4096xi32, #tpu.memory_space<hbm>> -> memref<1x4096xi32, #tpu.memory_space<hbm>>
        %dma_wait3A_60 = tpu.memref_squeeze %dma_wait3A_59 : memref<1x4096xi32, #tpu.memory_space<hbm>> -> memref<4096xi32, #tpu.memory_space<hbm>>
        %dma_wait3A_61 = arith.constant 0 : i32
        %dma_wait3A_62 = tpu.memref_slice %arg3[%sub3A_36, %dma_wait3A_61] : memref<16x4096xi32, #tpu.memory_space<hbm>> -> memref<1x4096xi32, #tpu.memory_space<hbm>>
        %dma_wait3A_63 = tpu.memref_squeeze %dma_wait3A_62 : memref<1x4096xi32, #tpu.memory_space<hbm>> -> memref<4096xi32, #tpu.memory_space<hbm>>
        tpu.wait_dma2 semaphore(%run_scoped3A : memref<!tpu.dma_semaphore, #tpu.memory_space<semaphore_mem>>) src(%dma_wait3A_63 : memref<4096xi32, #tpu.memory_space<hbm>>) dst(%arg6 : memref<4096xi32, #tpu.memory_space<vmem>>)
        tpu.yield
      }) : () -> ()
      %dma_wait3A = arith.constant 0 : i32
      %dma_wait3A_42 = tpu.memref_slice %arg2[%select_n3A_33, %sub3A_36, %dma_wait3A] : memref<3x16x100000xf32, #tpu.memory_space<hbm>> -> memref<1x1x100000xf32, #tpu.memory_space<hbm>>
      %dma_wait3A_43 = tpu.memref_squeeze %dma_wait3A_42 : memref<1x1x100000xf32, #tpu.memory_space<hbm>> -> memref<100000xf32, #tpu.memory_space<hbm>>
      %dma_wait3A_44 = arith.constant 0 : i32
      %dma_wait3A_45 = tpu.memref_slice %arg2[%select_n3A_33, %sub3A_36, %dma_wait3A_44] : memref<3x16x100000xf32, #tpu.memory_space<hbm>> -> memref<1x1x100000xf32, #tpu.memory_space<hbm>>
      %dma_wait3A_46 = tpu.memref_squeeze %dma_wait3A_45 : memref<1x1x100000xf32, #tpu.memory_space<hbm>> -> memref<100000xf32, #tpu.memory_space<hbm>>
      tpu.wait_dma2 semaphore(%arg8 : memref<!tpu.dma_semaphore, #tpu.memory_space<semaphore_mem>>) src(%dma_wait3A_46 : memref<100000xf32, #tpu.memory_space<hbm>>) dst(%arg5 : memref<100000xf32, #tpu.memory_space<vmem>>)
      %scan3A = arith.constant 0 : i32
      %scan3A_47 = arith.constant 0 : i32
      %scan3A_48 = arith.constant 64 : i32
      %scan3A_49 = arith.addi %scan3A_47, %scan3A_48 : i32
      %scan3A_50 = arith.constant 1 : i32
      scf.for %scan3A_52 = %scan3A_47 to %scan3A_49 step %scan3A_50  : i32 {
        %mul3A_53 = arith.constant 64 : i32
        %mul3A_54 = arith.muli %scan3A_52, %mul3A_53 : i32
        %add3A_55 = arith.constant 0 : i32
        %add3A_56 = arith.addi %mul3A_54, %add3A_55 : i32
        %get3A = arith.index_cast %add3A_56 : i32 to index
        %get3A_57 = tpu.vector_load %arg6[%get3A] {strides = array<i32>} : memref<4096xi32, #tpu.memory_space<vmem>>, vector<16xi32>,
        %gather3A = tpu.vector_load_idx %arg5[%get3A_57] : memref<100000xf32, #tpu.memory_space<vmem>>[vector<16xi32>], vector<16xf32>,
        %swap3A = arith.index_cast %add3A_56 : i32 to index
        %swap3A_58 = tpu.vector_load %arg7[%swap3A] {strides = array<i32>} : memref<4096xf32, #tpu.memory_space<vmem>>, vector<16xf32>,
        tpu.vector_store %arg7[%swap3A], %gather3A {strides = array<i32>} : memref<4096xf32, #tpu.memory_space<vmem>>, vector<16xf32>,
        %mul3A_59 = arith.constant 64 : i32
        %mul3A_60 = arith.muli %scan3A_52, %mul3A_59 : i32
        %add3A_61 = arith.constant 16 : i32
        %add3A_62 = arith.addi %mul3A_60, %add3A_61 : i32
        %get3A_63 = arith.index_cast %add3A_62 : i32 to index
        %get3A_64 = tpu.vector_load %arg6[%get3A_63] {strides = array<i32>} : memref<4096xi32, #tpu.memory_space<vmem>>, vector<16xi32>,
        %gather3A_65 = tpu.vector_load_idx %arg5[%get3A_64] : memref<100000xf32, #tpu.memory_space<vmem>>[vector<16xi32>], vector<16xf32>,
        %swap3A_66 = arith.index_cast %add3A_62 : i32 to index
        %swap3A_67 = tpu.vector_load %arg7[%swap3A_66] {strides = array<i32>} : memref<4096xf32, #tpu.memory_space<vmem>>, vector<16xf32>,
        tpu.vector_store %arg7[%swap3A_66], %gather3A_65 {strides = array<i32>} : memref<4096xf32, #tpu.memory_space<vmem>>, vector<16xf32>,
        %mul3A_68 = arith.constant 64 : i32
        %mul3A_69 = arith.muli %scan3A_52, %mul3A_68 : i32
        %add3A_70 = arith.constant 32 : i32
        %add3A_71 = arith.addi %mul3A_69, %add3A_70 : i32
        %get3A_72 = arith.index_cast %add3A_71 : i32 to index
        %get3A_73 = tpu.vector_load %arg6[%get3A_72] {strides = array<i32>} : memref<4096xi32, #tpu.memory_space<vmem>>, vector<16xi32>,
        %gather3A_74 = tpu.vector_load_idx %arg5[%get3A_73] : memref<100000xf32, #tpu.memory_space<vmem>>[vector<16xi32>], vector<16xf32>,
        %swap3A_75 = arith.index_cast %add3A_71 : i32 to index
        %swap3A_76 = tpu.vector_load %arg7[%swap3A_75] {strides = array<i32>} : memref<4096xf32, #tpu.memory_space<vmem>>, vector<16xf32>,
        tpu.vector_store %arg7[%swap3A_75], %gather3A_74 {strides = array<i32>} : memref<4096xf32, #tpu.memory_space<vmem>>, vector<16xf32>,
        %mul3A_77 = arith.constant 64 : i32
        %mul3A_78 = arith.muli %scan3A_52, %mul3A_77 : i32
        %add3A_79 = arith.constant 48 : i32
        %add3A_80 = arith.addi %mul3A_78, %add3A_79 : i32
        %get3A_81 = arith.index_cast %add3A_80 : i32 to index
        %get3A_82 = tpu.vector_load %arg6[%get3A_81] {strides = array<i32>} : memref<4096xi32, #tpu.memory_space<vmem>>, vector<16xi32>,
        %gather3A_83 = tpu.vector_load_idx %arg5[%get3A_82] : memref<100000xf32, #tpu.memory_space<vmem>>[vector<16xi32>], vector<16xf32>,
        %swap3A_84 = arith.index_cast %add3A_80 : i32 to index
        %swap3A_85 = tpu.vector_load %arg7[%swap3A_84] {strides = array<i32>} : memref<4096xf32, #tpu.memory_space<vmem>>, vector<16xf32>,
        tpu.vector_store %arg7[%swap3A_84], %gather3A_83 {strides = array<i32>} : memref<4096xf32, #tpu.memory_space<vmem>>, vector<16xf32>,
      }
      %scan3A_51 = arith.constant 64 : i32
      "tpu.region"() ({
        %run_scoped3A = tpu.sem_alloc : memref<!tpu.dma_semaphore, #tpu.memory_space<semaphore_mem>>
        %dma_start3A_52 = arith.constant 0 : i32
        %dma_start3A_53 = tpu.memref_slice %arg4[%select_n3A_33, %sub3A_36, %dma_start3A_52] : memref<3x16x4096xf32, #tpu.memory_space<hbm>> -> memref<1x1x4096xf32, #tpu.memory_space<hbm>>
        %dma_start3A_54 = tpu.memref_squeeze %dma_start3A_53 : memref<1x1x4096xf32, #tpu.memory_space<hbm>> -> memref<4096xf32, #tpu.memory_space<hbm>>
        %dma_start3A_55 = arith.constant 0 : i32
        %dma_start3A_56 = tpu.memref_slice %arg4[%select_n3A_33, %sub3A_36, %dma_start3A_55] : memref<3x16x4096xf32, #tpu.memory_space<hbm>> -> memref<1x1x4096xf32, #tpu.memory_space<hbm>>
        %dma_start3A_57 = tpu.memref_squeeze %dma_start3A_56 : memref<1x1x4096xf32, #tpu.memory_space<hbm>> -> memref<4096xf32, #tpu.memory_space<hbm>>
        tpu.enqueue_dma source(%arg7 : memref<4096xf32, #tpu.memory_space<vmem>>) target(%dma_start3A_57 : memref<4096xf32, #tpu.memory_space<hbm>>) target_semaphore(%run_scoped3A : memref<!tpu.dma_semaphore, #tpu.memory_space<semaphore_mem>>)
        %dma_wait3A_58 = arith.constant 0 : i32
        %dma_wait3A_59 = tpu.memref_slice %arg4[%select_n3A_33, %sub3A_36, %dma_wait3A_58] : memref<3x16x4096xf32, #tpu.memory_space<hbm>> -> memref<1x1x4096xf32, #tpu.memory_space<hbm>>
        %dma_wait3A_60 = tpu.memref_squeeze %dma_wait3A_59 : memref<1x1x4096xf32, #tpu.memory_space<hbm>> -> memref<4096xf32, #tpu.memory_space<hbm>>
        %dma_wait3A_61 = arith.constant 0 : i32
        %dma_wait3A_62 = tpu.memref_slice %arg4[%select_n3A_33, %sub3A_36, %dma_wait3A_61] : memref<3x16x4096xf32, #tpu.memory_space<hbm>> -> memref<1x1x4096xf32, #tpu.memory_space<hbm>>
        %dma_wait3A_63 = tpu.memref_squeeze %dma_wait3A_62 : memref<1x1x4096xf32, #tpu.memory_space<hbm>> -> memref<4096xf32, #tpu.memory_space<hbm>>
        tpu.wait_dma2 semaphore(%run_scoped3A : memref<!tpu.dma_semaphore, #tpu.memory_space<semaphore_mem>>) src(%arg7 : memref<4096xf32, #tpu.memory_space<vmem>>) dst(%dma_wait3A_63 : memref<4096xf32, #tpu.memory_space<hbm>>)
        tpu.yield
      }) : () -> ()
    }
    return
  }
}

</mosaic_0001>

<sc_bundles>
// kernel: kernel.3.cloned.1.call-start
scs
__scs_entry_jumppad:
0x0: {  	(pc) =	sbr.rel $0x88, $3  }
0x1: {  	(tag) =	ssettag $0x0;
	lr =	simm.s32 $0x1  }
0x2: {  	[smem:$0x3F9F] =	sst lr;
	_ =	strace $0xD0000000  }
0x3: {  	_ = 	snop  }
0x4: {  	_ = 	snop  }
0x5: {  	_ = 	snop  }
0x6: {  	_ = 	snop  }
0x7: {  	_ = 	snop  }
__scs_overlays_trampoline_lowered:
0x8: {  	[smem:$0x3FAE] =	sst s0  }
0x9: {  	[smem:$0x3FAF] =	sst s1  }
0xa: {  	[smem:$0x3FB0] =	sst s2  }
0xb: {  	[smem:$0x3FB1] =	sst s3  }
0xc: {  	[smem:$0x3FB2] =	sst s4  }
0xd: {  	[smem:$0x3FB3] =	sst s5  }
0xe: {  	[smem:$0x3FB4] =	sst s6  }
0xf: {  	[smem:$0x3FB5] =	sst s7  }
0x10: {  	[smem:$0x3FB6] =	sst s8  }
0x11: {  	[smem:$0x3FB7] =	sst s9;
	s0 =	simm.s32 @!p0 $0x0  }
0x12: {  	s1 =	sld [smem:$0x3F9D];
	s0 =	simm.s32 @p0 $0x1  }
0x13: {  	[smem:$0x3FB8] =	sst s0;
	s0 =	simm.s32 @!p1 $0x0  }
0x14: {  	s2 =	sld [smem:$0x3F9C];
	s0 =	simm.s32 @p1 $0x1  }
0x15: {  	[smem:$0x3FB9] =	sst s0;
	s0 =	simm.s32 @!p2 $0x0  }
0x16: {  	s3 =	sld [smem:$0x3FDB];
	s0 =	simm.s32 @p2 $0x1  }
0x17: {  	s4 =	simm.s32 $0x1BF5;
	[smem:$0x3FBB] =	sst s0  }
0x18: {  	s0 =	sld [smem:$0x3F9E];
	_ =	swait.ge [sflag:s4], $0x0  }
0x19: {  	s7 =	sld [smem:$0x3F9F]  }
0x1a: {  	s8 =	sadd.s32 $0xFFFFE003, lr  }
0x1b: {  	s9 =	sadd.s32 $0xFFFFFEF7, lr;
	s5 =	simm.s32 $0xFFFFFFFF;
	p2 =	slt.u32 s8, $0xFFFFF086  }
0x1c: {  	p1 =	slt.u32 s9, $0xF7A;
	s5 =	simm.s32 @!p2 $0x0  }
0x1d: {  	s5 =	simm.s32 @p1 $0x1;
	p0 =	seq.s32 s7, s2  }
0x1e: {  	s7 =	smul.u32 @!p0 $0xF7A, s2;
	p2 =	seq.s32 @!p0 s5, $0x0  }
0x1f: {  	s9 =	smul.u32 $0xF7A, s1;
	s8 =	simm.s32 @!p0 $0x1BF5;
	p2 =	por !p2, p0  }
0x20: {  	[sflag:s8] =	ssyncset.s32 @!p0 $0xFFFFF086;
	s6 =	sadd.s32 @!p0 s3, s7;
	s7 =	simm.s32 @!p0 $0x108  }
0x21: {  	s3 =	sadd.s32 s3, s9;
	s6 =	sadd.s32 @!p0 $0x88, s6;
	s7 =	simm.s32 @p2 $0x1082  }
0x22: {  	[simem:s7], [sflag:s8] =	dma.local @!p0 [hbm:s6], $0xF7A  }
0x23: {  	s9 =	sor.u32 $0xD0000000, s2;
	s6 =	simm.s32 $0x108;
	_ =	swait.ge @!p0 [sflag:s8], $0x0  }
0x24: {  	s3 =	sadd.s32 $0x88, s3;
	s6 =	simm.s32 @!p1 $0x1082;
	[sflag:s4] =	ssyncset.s32 $0xFFFFF086  }
0x25: {  	[simem:s6], [sflag:s4] =	dma.local [hbm:s3], $0xF7A  }
0x26: {  	[smem:$0x3F9F] =	sst s1;
	(tag) =	ssettag s2;
	_ =	strace s9  }
0x27: {  	s1 =	sld [smem:$0x3FAF]  }
0x28: {  	s2 =	sld [smem:$0x3FB0]  }
0x29: {  	s4 =	sld [smem:$0x3FB2]  }
0x2a: {  	p0 =	seq.s32 s5, $0x0;
	s5 =	sld [smem:$0x3FB3]  }
0x2b: {  	s6 =	sld [smem:$0x3FB4]  }
0x2c: {  	s7 =	sld [smem:$0x3FB5]  }
0x2d: {  	s3 =	simm.s32 $0x108;
	s8 =	sld [smem:$0x3FB6]  }
0x2e: {  	s3 =	simm.s32 @!p0 $0x1082;
	s9 =	sld [smem:$0x3FB7]  }
0x2f: {  	lr =	sadd.s32 s0, s3;
	s0 =	sld [smem:$0x3FAE]  }
0x30: {  	s3 =	sld [smem:$0x3FB1]  }
0x31: {  	[smem:$0x3FBA] =	sst s10  }
0x32: {  	s10 =	sld [smem:$0x3FB8];
	_ =	sdelay $0x3  }
0x33: {  	p0 =	seq.s32 s10, $0x1;
	s10 =	sld [smem:$0x3FBA];
	_ =	sdelay $0x3  }
0x34: {  	[smem:$0x3FBA] =	sst s10  }
0x35: {  	s10 =	sld [smem:$0x3FB9];
	_ =	sdelay $0x3  }
0x36: {  	p1 =	seq.s32 s10, $0x1;
	s10 =	sld [smem:$0x3FBA];
	_ =	sdelay $0x3  }
0x37: {  	[smem:$0x3FBA] =	sst s10  }
0x38: {  	s10 =	sld [smem:$0x3FBB]  }
0x39: {  	_ = 	snop;
	(pc) =	sbr.ind lr, $3  }
0x3a: {  	_ = 	snop  }
0x3b: {  	_ = 	snop  }
0x3c: {  	p2 =	seq.s32 s10, $0x1;
	s10 =	sld [smem:$0x3FBA]  }
0x3d: {  	_ =	shalt  }
0x3e: {  	_ =	shalt  }
0x3f: {  	_ =	shalt  }
0x40: {  	_ =	shalt  }
0x41: {  	_ =	shalt  }
0x42: {  	_ =	shalt  }
0x43: {  	_ =	shalt  }
0x44: {  	_ =	shalt  }
0x45: {  	_ =	shalt  }
0x46: {  	_ =	shalt  }
0x47: {  	_ =	shalt  }
0x48: {  	_ =	shalt  }
0x49: {  	_ =	shalt  }
0x4a: {  	_ =	shalt  }
0x4b: {  	_ =	shalt  }
0x4c: {  	_ =	shalt  }
0x4d: {  	_ =	shalt  }
0x4e: {  	_ =	shalt  }
0x4f: {  	_ =	shalt  }
0x50: {  	_ =	shalt  }
0x51: {  	_ =	shalt  }
0x52: {  	_ =	shalt  }
0x53: {  	_ =	shalt  }
0x54: {  	_ =	shalt  }
0x55: {  	_ =	shalt  }
0x56: {  	_ =	shalt  }
0x57: {  	_ =	shalt  }
0x58: {  	_ =	shalt  }
0x59: {  	_ =	shalt  }
0x5a: {  	_ =	shalt  }
0x5b: {  	_ =	shalt  }
0x5c: {  	_ =	shalt  }
0x5d: {  	_ =	shalt  }
0x5e: {  	_ =	shalt  }
0x5f: {  	_ =	shalt  }
0x60: {  	_ =	shalt  }
0x61: {  	_ =	shalt  }
0x62: {  	_ =	shalt  }
0x63: {  	_ =	shalt  }
0x64: {  	_ =	shalt  }
0x65: {  	_ =	shalt  }
0x66: {  	_ =	shalt  }
0x67: {  	_ =	shalt  }
0x68: {  	_ =	shalt  }
0x69: {  	_ =	shalt  }
0x6a: {  	_ =	shalt  }
0x6b: {  	_ =	shalt  }
0x6c: {  	_ =	shalt  }
0x6d: {  	_ =	shalt  }
0x6e: {  	_ =	shalt  }
0x6f: {  	_ =	shalt  }
0x70: {  	_ =	shalt  }
0x71: {  	_ =	shalt  }
0x72: {  	_ =	shalt  }
0x73: {  	_ =	shalt  }
0x74: {  	_ =	shalt  }
0x75: {  	_ =	shalt  }
0x76: {  	_ =	shalt  }
0x77: {  	_ =	shalt  }
0x78: {  	_ =	shalt  }
0x79: {  	_ =	shalt  }
0x7a: {  	_ =	shalt  }
0x7b: {  	_ =	shalt  }
0x7c: {  	_ =	shalt  }
0x7d: {  	_ =	shalt  }
0x7e: {  	_ =	shalt  }
0x7f: {  	_ =	shalt  }
0x80: {  	_ =	shalt  }
0x81: {  	_ =	shalt  }
0x82: {  	_ =	shalt  }
0x83: {  	_ =	shalt  }
0x84: {  	_ =	shalt  }
0x85: {  	_ =	shalt  }
0x86: {  	_ =	shalt  }
0x87: {  	_ =	shalt  }
.Lfunc_end0:
.L_simem_size_0:
called_computation_lowered:
.L_overlay_start_0:
0x88: {  	s2 =	sld [smem:$0x3FD9]  }
0x89: {  	s3 =	sld [smem:$0x3FFE];
	_ =	sdelay $0x1  }
0x8a: {  	s1 =	srdreg.scid  }
0x8b: {  	s0 =	sand.u32 $0x1, s1  }
0x8c: {  	s18 =	sshll.u32 s0, $0xA;
	s2 =	sadd.s32 s3, s2  }
0x8d: {  	s2 =	sadd.s32 s2, s18  }
0x8e: {  	[smem:$0x3FC6] =	sst s2  }
0x8f: {  	_ = 	snop  }
0x90: {  	s2 =	sld [smem:$0x3FC9]  }
0x91: {  	s19 =	sld [smem:$0x3FC8]  }
0x92: {  	s4 =	sld [smem:$0x3FD0];
	(tm) =	ssettm $0x1  }
0x93: {  	s5 =	sld [smem:$0x3FFB];
	_ =	sdelay $0x3  }
0x94: {  	_ =	strace s5  }
0x95: {  	s5 =	sld [smem:$0x3FFC];
	_ =	sdelay $0x3  }
0x96: {  	_ =	strace s5  }
0x97: {  	s5 =	sld [smem:$0x3FFD];
	_ =	sdelay $0x3  }
0x98: {  	_ =	strace s5  }
0x99: {  	_ =	strace $0x8FFFFFFF  }
0x9a: {  	s20 =	sld [smem:$0x3FDB];
	_ =	sdelay $0x1  }
0x9b: {  	s6 =	simm.s32 $_scs_section_size  }
0x9c: {  	s7 =	simm.s32 $_size__tile_overlayer_lowered;
	s8 =	simm.s32 $_tile_overlayer_lowered  }
0x9d: {  	s23 =	simm.s32 $0x1BFF;
	s22 =	sshll.u32 s8, $0x1;
	s5 =	sadd.s32 s6, s20  }
0x9e: {  	s9 =	simm.s32 $0x0;
	s21 =	sshll.u32 s7, $0x1;
	s7 =	sadd.s32 s22, s5  }
0x9f: {  	[timem:s9], [sflag:s23] =	dma.local [hbm:s7], s21  }
0xa0: {  	_ =	swait.ge [sflag:s23], s21  }
0xa1: {  	s6 =	ssub.s32 $0x0, s21;
	[sflag:s23] =	ssyncset.done $0x0  }
0xa2: {  	[sflag:s23] =	ssyncadd.s32 s6;
	_ =	sdelay $0x1  }
0xa3: {  	s24 =	simm.s32 $0x1B8B  }
0xa4: {  	_ =	swait.ge [sflag:s24], $0x1  }
0xa5: {  	[sflag:s24] =	ssyncset.done $0x0  }
0xa6: {  	s25 =	simm.s32 $0x1B8E;
	[sflag:s24] =	ssyncadd.s32 $0xFFFFFFFF  }
0xa7: {  	s26 =	simm.s32 $execute0_lowered;
	[smem:$0x3FD2] =	sst s25  }
0xa8: {  	s6 =	sshll.u32 s26, $0x1;
	_ =	strace $0x80000046;
	[dreg:$0x1] =	wrdreg $0xFFFFFFFF  }
0xa9: {  	s28 =	simm.s32 $_size_execute0_lowered;
	s5 =	sadd.s32 s5, s6;
	[dreg:$0x0] =	wrdreg $0x0  }
0xaa: {  	s6 =	sshll.u32 s28, $0x1;
	[dreg:$0x2] =	wrdreg s5  }
0xab: {  	[dreg:$0x3] =	wrdreg s6  }
0xac: {  	[dreg:$0x4] =	wrdreg $0xC0  }
0xad: {  	_ =	task [dreg:s9], $0x5FFFF  }
0xae: {  	[dreg:$0x1] =	wrdreg $0xFFFFFFFF  }
0xaf: {  	[dreg:$0x0] =	wrdreg $0x60  }
0xb0: {  	[dreg:$0x2] =	wrdreg s2  }
0xb1: {  	[dreg:$0x3] =	wrdreg s19  }
0xb2: {  	[dreg:$0x4] =	wrdreg s4  }
0xb3: {  	[dreg:$0x5] =	wrdreg $0x9  }
0xb4: {  	_ =	task.clear_ibuf [dreg:s9], $0x6FFFF;
	_ =	strace $0x90000046  }
0xb5: {  	s29 =	simm.s32 $0x9;
	_ =	strace $0x80000048  }
0xb6: {  	_ =	swait.ge [sflag:s29], $0x1  }
0xb7: {  	[sflag:s29] =	ssyncadd.s32 $0xFFFFFFFF  }
0xb8: {  	_ =	strace $0x90000048  }
0xb9: {  	_ =	sfence  }
0xba: {  	s30 =	sld [smem:$0x0];
	_ =	sdelay $0x2  }
0xbb: {  	s31 =	sshll.u32 s1, $0xD;
	s1 =	sshrl.u32 s1, $0x2  }
0xbc: {  	s3 =	sand.u32 $0x4000, s31;
	s1 =	sadd.s32 s1, s30  }
0xbd: {  	s0 =	sor.u32 s3, s0;
	s1 =	sshll.u32 s1, $0x11  }
0xbe: {  	s0 =	sor.u32 s1, s0  }
0xbf: {  	s0 =	sadd.s32 $0x8F2B, s0  }
0xc0: {  	[sflag:s0] =	ssyncadd.remote.s32 $0x1  }
0xc1: {  	_ =	sfence.sel $0xFFFF  }
0xc2: {  	[dreg:$0x0] =	wrdreg $0xFFFFFFFF;
	(pc) =	sbr.abs _section_cstart, $3  }
0xc3: {  	[dreg:$0x1] =	wrdreg $0xFFFFFFFF  }
0xc4: {  	_ =	task.clear_ibuf [dreg:s9], $0x2FFFF;
	_ =	strace $0x9FFFFFFF  }
0xc5: {  	(tm) =	ssettm $0x7FFFFFFF  }
tec
execute0_lowered:
.L_overlay_start_1:
0x0: {  	(tag) =	ssettag $0x1  }
0x1: {  	s1 =	rddreg [dreg:$0x0]  }
0x2: {  	s3 =	rddreg [dreg:$0x1]  }
0x3: {  	s4 =	rddreg [dreg:$0x2];
	s5 =	srdreg.scid  }
0x4: {  	s0 =	rddreg [dreg:$0x3];
	s2 =	stileid.u32;
	s10 =	simm.s32 $0x80  }
0x5: {  	s11 =	simm.s32 $0x400;
	s12 =	simm.s32 $0x18700;
	s13 =	simm.s32 $0x2  }
0x6: {  	s14 =	simm.s32 $0x19700;
	s15 =	simm.s32 $0x0;
	s6 =	sand.u32 $0x1, s5  }
0x7: {  	s5 =	simm.s32 $0x0;
	s8 =	sshll.u32 s2, $0x1;
	p0 =	slt.u32 s2, $0x8  }
0x8: {  	s7 =	ssub.s32 $0x2, s6;
	[smem:$0x7FF] =	sst s5;
	s6 =	sor.u32 s6, s8  }
0x9: {  	s9 =	sshrl.u32 s7, $0x1;
	_ =	strace $0x80000047;
	s30 =	sshll.u32 s6, $0x7  }
0xa: {  	s31 =	sand.u32 $0xF, s6;
	s29 =	ssub.s32 s7, s9;
	s7 =	sand.u32 $0x380, s30  }
0xb: {  	p1 =	sne.s32 s31, $0x0;
	s9 =	simm.s32 $0x1;
	s8 =	smax.u32 s29, $0x1  }
.LBB2_1:
0xc: {  	p3 =	por p0, p0;
	s16 =	simm.s32 $0x0  }
.LBB2_2:
0xd: {  	s17 =	sor.u32 s6, s16  }
0xe: {  	p2 =	seq.s32 s17, $0x0  }
0xf: {  	p2 =	por !p1, !p2  }
0x10: {  	s16 =	simm.s32 $0x1;
	p2 =	por !p2, !p2  }
0x11: {  	s18 =	sshrl.u32 s17, $0x4;
	s16 =	simm.s32 @!p2 $0x0  }
0x12: {  	s16 =	ssub.s32 s18, s16  }
0x13: {  	s18 =	sshll.u32 s16, $0x4  }
0x14: {  	s17 =	ssub.s32 s17, s18  }
0x15: {  	s29 =	smul.u32 $0x187000, s16;
	s17 =	sshrl.u32 s17, $0x3  }
0x16: {  	s19 =	smul.u32 $0xC3800, s17;
	_ =	sdelay $0x1  }
0x17: {  	s18 =	sadd.s32 s29, s19  }
0x18: {  	s18 =	sor.u32 s7, s18  }
0x19: {  	s17 =	sshll.u32 s17, $0xF;
	s18 =	sshrl.u32 s18, $0x3  }
0x1a: {  	s30 =	simm.s32 $0x0;
	s31 =	sor.u32 s7, s17;
	s18 =	sadd.s32 s1, s18  }
0x1b: {  	[tilespmem:s30], [sflag:$0x1] =	stream.strided.gather [hbm4b:s18+s10], $0x18700, s11, s10, $0x38;
	[tilespmem:$0x1A700] =	vst v63  }
0x1c: {  	s18 =	sshrl.u32 s31, $0x3  }
0x1d: {  	s18 =	sadd.s32 s3, s18  }
0x1e: {  	[tilespmem:s12], [sflag:$0x2] =	stream.strided.gather [hbm4b:s18+s10], $0x1000, s11, s10, $0x38;
	[tilespmem:$0x1A700] =	vst v63  }
0x1f: {  	_ =	swait.ge [sflag:s13], $0x1000  }
0x20: {  	[sflag:s13] =	ssyncset.done $0x0  }
0x21: {  	[sflag:s13] =	ssyncadd.s32 $0xFFFFF000  }
0x22: {  	_ =	swait.ge [sflag:s9], $0x18700  }
0x23: {  	[sflag:s9] =	ssyncset.done $0x0  }
0x24: {  	s18 =	simm.s32 $0x0;
	[sflag:s9] =	ssyncadd.s32 $0xFFFE7900  }
0x25: {  	v0 =	vld [tilespmem:s18+$0x18700];
	_ =	sdelay $0x5  }
0x26: {  	v1 =	vld [tilespmem:s18+$0x18710];
	_ =	sdelay $0x1  }
0x27: {  	v0 =	vld.idx.msk [tilespmem:v0+s5+$0x0], $0xffff;
	_ =	sdelay $0x4  }
0x28: {  	v2 =	vld [tilespmem:s18+$0x18720];
	[tilespmem:s18+$0x19700] =	vst v0  }
0x29: {  	v0 =	vld.idx.msk [tilespmem:v1+s5+$0x0], $0xffff;
	_ =	sdelay $0x4  }
0x2a: {  	[tilespmem:s18+$0x19710] =	vst v0;
	v0 =	vld [tilespmem:s18+$0x18730];
	_ =	sdelay $0x1  }
0x2b: {  	v1 =	vld.idx.msk [tilespmem:v2+s5+$0x0], $0xffff;
	_ =	sdelay $0x3  }
0x2c: {  	s20 =	simm.s32 $0x40;
	p2 =	por p3, p3;
	s19 =	simm.s32 $0x200  }
.LBB2_3:
0x2d: {  	p3 =	sne.s32 s19, $0x3F00;
	v2 =	vld [tilespmem:s20+$0x18700];
	[tilespmem:s18+$0x19720] =	vst v1  }
0x2e: {  	v0 =	vld.idx.msk [tilespmem:v0+s5+$0x0], $0xffff;
	_ =	sdelay $0x5  }
0x2f: {  	v1 =	vld [tilespmem:s20+$0x18710];
	[tilespmem:s18+$0x19730] =	vst v0;
	s18 =	smov.u32 s20  }
0x30: {  	v0 =	vld.idx.msk [tilespmem:v2+s5+$0x0], $0xffff;
	_ =	sdelay $0x5  }
0x31: {  	[tilespmem:s18+$0x19700] =	vst v0;
	v2 =	vld [tilespmem:s18+$0x18720]  }
0x32: {  	v0 =	vld.idx.msk [tilespmem:v1+s5+$0x0], $0xffff;
	_ =	sdelay $0x5  }
0x33: {  	[tilespmem:s18+$0x19710] =	vst v0;
	v0 =	vld [tilespmem:s18+$0x18730]  }
0x34: {  	v1 =	vld.idx.msk [tilespmem:v2+s5+$0x0], $0xffff  }
.Ltmp0:
0x35: {  	(pc) =	sbr.rel @p3 .LBB2_3-.Ltmp0, $2  }
0x36: {  	_ =	sdelay $0x2  }
0x37: {  	s20 =	sshra.s32 s19, $0x2;
	s19 =	sadd.s32 $0x100, s19  }
0x38: {  	_ =	sdelay $0x1  }
0x39: {  	v2 =	vld [tilespmem:s20+$0x18700]  }
0x3a: {  	[tilespmem:s18+$0x19720] =	vst v1  }
0x3b: {  	v0 =	vld.idx.msk [tilespmem:v0+s5+$0x0], $0xffff;
	_ =	sdelay $0x3  }
0x3c: {  	v1 =	vld [tilespmem:s20+$0x18710]  }
0x3d: {  	[tilespmem:s18+$0x19730] =	vst v0  }
0x3e: {  	v0 =	vld.idx.msk [tilespmem:v2+s5+$0x0], $0xffff;
	_ =	sdelay $0x3  }
0x3f: {  	v62 =	vld [tilespmem:s20+$0x18720]  }
0x40: {  	[tilespmem:s20+$0x19700] =	vst v0  }
0x41: {  	v1 =	vld.idx.msk [tilespmem:v1+s5+$0x0], $0xffff;
	_ =	sdelay $0x3  }
0x42: {  	v63 =	vld [tilespmem:s20+$0x18730]  }
0x43: {  	[tilespmem:s20+$0x19710] =	vst v1  }
0x44: {  	v0 =	vld.idx.msk [tilespmem:v62+s5+$0x0], $0xffff;
	_ =	sdelay $0x4  }
0x45: {  	[tilespmem:s20+$0x19720] =	vst v0  }
0x46: {  	v0 =	vld.idx.msk [tilespmem:v63+s5+$0x0], $0xffff  }
0x47: {  	s16 =	sshll.u32 s16, $0x10  }
0x48: {  	s16 =	sadd.s32 s16, s17  }
0x49: {  	s16 =	sor.u32 s7, s16  }
0x4a: {  	s16 =	sshrl.u32 s16, $0x3  }
.Ltmp1:
0x4b: {  	s16 =	sadd.s32 s4, s16;
	[tilespmem:s20+$0x19730] =	vst v0;
	(pc) =	sbr.rel @p2 .LBB2_2-.Ltmp1, $4  }
0x4c: {  	[hbm4b:s16+s10] =	stream.strided.scatter [tilespmem:s14], [sflag:$0x2], $0x1000, s11, s10, $0x38;
	[tilespmem:$0x1A700] =	vst v63  }
0x4d: {  	_ =	swait.ge [sflag:s13], $0x1000  }
0x4e: {  	[sflag:s13] =	ssyncset.done $0x0  }
0x4f: {  	p3 =	por $0x0, $0x0;
	s16 =	simm.s32 $0x20;
	[sflag:s13] =	ssyncadd.s32 $0xFFFFF000  }
0x50: {  	s15 =	sadd.s32 $0x1, s15  }
0x51: {  	p2 =	sne.s32 s15, s8  }
.Ltmp2:
0x52: {  	_ = 	snop;
	(pc) =	sbr.rel @p2 .LBB2_1-.Ltmp2, $1  }
0x53: {  	_ =	sdelay $0x3  }
0x54: {  	_ =	sfence.sel $0x180000  }
0x55: {  	[bflag:$0x0] =	sbarrier.arrive $0xFFFF  }
0x56: {  	p0 =	sne.s32 s2, $0x0;
	_ =	strace $0x90000047  }
0x57: {  	s0 =	sadd.s32 @!p0 $0x100000, s0;
	[bflag:$0x2] =	sbarrier.arrive $0xFFFF  }
0x58: {  	[sflag:s0] =	ssyncadd.tile.s32 @!p0 $0x1;
	_ =	shalt  }
.Lfunc_end2:
_tile_overlayer_lowered:
.L_overlay_start_2:
0x59: {  	(tag) =	ssettag $0x2  }
0x5a: {  	s0 =	rddreg [dreg:$0x0];
	s2 =	stileid.u32  }
0x5b: {  	s1 =	rddreg [dreg:$0x1];
	p0 =	sne.s32 s2, $0x0  }
0x5c: {  	s3 =	rddreg [dreg:$0x2];
	[bflag:$0x3] =	sbarrier.arrive $0xFFFF;
	s2 =	simm.s32 @!p0 $0x1C02  }
0x5d: {  	[timem:s3], [sflag:s2] =	dma.local @!p0 [hbm:s0], s1  }
0x5e: {  	s0 =	simm.s32 @!p0 $0x2  }
0x5f: {  	_ =	swait.ge @!p0 [sflag:s0], s1  }
0x60: {  	s1 =	ssub.s32 @!p0 $0x0, s1;
	[sflag:s0] =	ssyncset.done @!p0 $0x0  }
0x61: {  	[sflag:s0] =	ssyncadd.s32 @!p0 s1  }
0x62: {  	[bflag:$0x3] =	sbarrier.arrive $0xFFFF  }
0x63: {  	_ =	shalt  }

</sc_bundles>
